<compile_context>
chip_gen: v7x
topology: tpu7x:2x2x1
jax: 0.10.2.dev20260603
libtpu: 0.0.44.dev20260713+nightly
codegen_flags: <defaults>
</compile_context>

<pallas_src>
import jax
import jax.numpy as jnp
from jax import lax
from jax.experimental import pallas as pl
from jax.experimental.pallas import tpu as pltpu
from jax.experimental.pallas import tpu_sc as plsc

_LANES = 128
_SV_BS = 8


def _sc_ind_body(par_ref, ind_ref, out_ref, pv, iv):
    cid = lax.axis_index("c")
    sid = lax.axis_index("s")

    @pl.when(jnp.logical_and(cid == 0, sid == 0))
    def _():
        pltpu.sync_copy(par_ref, pv)
        idxv = pv[...]
        pltpu.sync_copy(ind_ref, iv)
        lane = lax.iota(jnp.int32, 16)
        plsc.addupdate_scatter(
            iv, [idxv], jnp.full((16,), 1, jnp.int32), mask=lane == 0
        )
        pltpu.sync_copy(iv, out_ref)


def _make_sc_ind(n_det):
    mesh = plsc.VectorSubcoreMesh(
        core_axis_name="c", subcore_axis_name="s", num_cores=2, num_subcores=16
    )
    return pl.kernel(
        _sc_ind_body,
        out_type=jax.ShapeDtypeStruct((n_det,), jnp.int32),
        mesh=mesh,
        scratch_types=[
            pltpu.VMEM((16,), jnp.int32),
            pltpu.VMEM((n_det,), jnp.int32),
        ],
        compiler_params=pltpu.CompilerParams(needs_layout_passes=False),
    )


def _tc_body(s_ref, ct_in, ind_in, t_ref, new_in, sv_in, ct_out, sv_out,
             ism, sm_sem):
    i = pl.program_id(0)
    idx = s_ref[0]
    sidx = s_ref[1]
    ibase = pl.multiple_of(s_ref[3], _LANES)
    ioff = idx - ibase

    cur_rd = pltpu.make_async_copy(ind_in.at[pl.ds(ibase, _LANES)], ism, sm_sem)

    @pl.when(i == 0)
    def _():
        cur_rd.start()

    @pl.when(i == pl.num_programs(0) - 1)
    def _():
        cur_rd.wait()
        cur = ism[ioff]
        blk = ct_in[...]
        cri = jax.lax.broadcasted_iota(jnp.int32, blk.shape, 0)
        cci = jax.lax.broadcasted_iota(jnp.int32, blk.shape, 1)
        ct_out[...] = jnp.where((cri == cur) & (cci == ioff), t_ref[0], blk)

    @pl.when(i != sidx // _SV_BS)
    def _():
        sv_out[...] = sv_in[...]

    @pl.when(i == sidx // _SV_BS)
    def _():
        slot = jax.lax.broadcasted_iota(jnp.int32, sv_in.shape, 0) + i * _SV_BS
        sv_out[...] = jnp.where(slot == sidx, new_in[...], sv_in[...])


def kernel(clicktimes, indices, idx, t, saved, new, save_index):
    n_det, max_clicks = clicktimes.shape
    n_save, batch, dim = saved.shape
    idx = jnp.asarray(idx, jnp.int32)
    sidx = jnp.asarray(save_index, jnp.int32)
    ct_t = clicktimes.T
    sv_t = jnp.transpose(saved, (0, 2, 1))
    new_t = jnp.transpose(new, (0, 2, 1))
    t_arr = jnp.reshape(t, (1,))
    par16 = jnp.full((16,), idx, jnp.int32)

    ind_out = _make_sc_ind(n_det)(par16, indices)

    s = jnp.stack([idx, sidx, idx // _LANES, (idx // _LANES) * _LANES])
    grid_spec = pltpu.PrefetchScalarGridSpec(
        num_scalar_prefetch=1,
        grid=(n_save // _SV_BS,),
        in_specs=[
            pl.BlockSpec((max_clicks, _LANES), lambda i, s: (0, s[2])),
            pl.BlockSpec(memory_space=pl.ANY),
            pl.BlockSpec(memory_space=pltpu.SMEM),
            pl.BlockSpec((1, dim, batch), lambda i, s: (s[1], 0, 0)),
            pl.BlockSpec((_SV_BS, dim, batch), lambda i, s: (i, 0, 0)),
        ],
        out_specs=[
            pl.BlockSpec((max_clicks, _LANES), lambda i, s: (0, s[2])),
            pl.BlockSpec((_SV_BS, dim, batch), lambda i, s: (i, 0, 0)),
        ],
        scratch_shapes=[
            pltpu.SMEM((_LANES,), jnp.int32),
            pltpu.SemaphoreType.DMA,
        ],
    )
    ct_out, sv_out = pl.pallas_call(
        _tc_body,
        grid_spec=grid_spec,
        out_shape=[
            jax.ShapeDtypeStruct(ct_t.shape, ct_t.dtype),
            jax.ShapeDtypeStruct(sv_t.shape, sv_t.dtype),
        ],
        input_output_aliases={1: 0},
        compiler_params=pltpu.CompilerParams(
            dimension_semantics=("arbitrary",),
            vmem_limit_bytes=128 * 1024 * 1024,
        ),
    )(s, ct_t, indices, t_arr, new_t, sv_t)
    return (
        ct_out.T,
        ind_out,
        jnp.transpose(sv_out, (0, 2, 1)),
        save_index + 1,
    )

# --- scband reference (transcript-rebuilt; emitter-appended) ---
"""Pipeline reference for scband-jump-state-17781164605924 (READ-ONLY COPY).

The authoritative reference and input builder live on the scoring server;
editing this copy changes nothing except your own understanding.
"""

import jax, jax.numpy as jnp
import numpy as np

N_DET = 100000
MAX_CLICKS = 200
N_SAVE = 128
BATCH = 2048
DIM = 64

def setup_inputs(seed: int = 0) -> dict:
    key = jax.random.key(seed)
    k1, k2, k3, k4, k5 = jax.random.split(key, 5)
    clicktimes = jax.random.normal(k1, (N_DET, MAX_CLICKS), dtype=jnp.float32)
    indices = jax.random.randint(k2, (N_DET,), 0, MAX_CLICKS, dtype=jnp.int64) if jax.config.jax_enable_x64 else jax.random.randint(k2, (N_DET,), 0, MAX_CLICKS, dtype=jnp.int32)
    idx = 12345  # detector that clicked (python int, < N_DET)
    t = jax.random.uniform(k3, (), dtype=jnp.float32)  # click time
    saved = jax.random.normal(k4, (N_SAVE, BATCH, DIM), dtype=jnp.float32)
    new = jax.random.normal(k5, (N_SAVE, BATCH, DIM), dtype=jnp.float32)
    save_index = 64  # current save slot (python int, < N_SAVE)
    return {"clicktimes": clicktimes, "indices": indices, "idx": idx, "t": t, "saved": saved, "new": new, "save_index": save_index}

def reference(clicktimes, indices, idx, t, saved, new, save_index):
    # JumpState.new_click: record click time at cursor position, bump cursor
    cursor = indices[idx]
    clicktimes_out = clicktimes.at[idx, cursor].set(t)
    indices_out = indices.at[idx].add(1)
    # JumpState.new_save: jax.tree.map(lambda _new, _saved: _saved.at[i].set(_new[i]), new, saved)
    # SolveSaved modeled as a single dense buffer leaf
    saved_out = jax.tree.map(lambda _new, _saved: _saved.at[save_index].set(_new[save_index]), new, saved)
    save_index_out = save_index + 1
    return (clicktimes_out, indices_out, saved_out, save_index_out)

if __name__ == "__main__":
    import jax
    _d = setup_inputs()
    print(jax.jit(kernel)(*tuple(_d.values())))

</pallas_src>

<mosaic_0001>
#map = affine_map<(d0, d1) -> (0)>
module attributes {stable_mosaic.version = 14 : i64} {
  func.func @_sc_ind_body(%arg0: i32, %arg1: i32, %arg2: memref<16xi32, #tpu.memory_space<hbm>>, %arg3: memref<100000xi32, #tpu.memory_space<hbm>>, %arg4: memref<100000xi32, #tpu.memory_space<hbm>>, %arg5: memref<16xi32, #tpu.memory_space<vmem>>, %arg6: memref<100000xi32, #tpu.memory_space<vmem>>) attributes {dimension_semantics = [#tpu.dimension_semantics<core_parallel>, #tpu.dimension_semantics<subcore_parallel>], iteration_bounds = array<i64: 2, 16>, scalar_prefetch = 0 : i64, scratch_operands = 2 : i64, tpu.core_type = #tpu.core_type<sc_vector_subcore>, window_params = [{transform_indices = #map}, {transform_indices = #map}, {transform_indices = #map}]} {
    %eq3A = arith.constant 0 : i32
    %eq3A_0 = arith.cmpi eq, %arg0, %eq3A : i32
    %eq3A_1 = arith.constant 0 : i32
    %eq3A_2 = arith.cmpi eq, %arg1, %eq3A_1 : i32
    %and3A = arith.andi %eq3A_0, %eq3A_2 : i1
    %convert_element_type3A = arith.extui %and3A : i1 to i32
    %cond3A = arith.constant 0 : i32
    %cond3A_3 = arith.cmpi ne, %convert_element_type3A, %cond3A : i32
    scf.if %cond3A_3 {
      "tpu.region"() ({
        %run_scoped3A = tpu.sem_alloc : memref<!tpu.dma_semaphore, #tpu.memory_space<semaphore_mem>>
        tpu.enqueue_dma source(%arg2 : memref<16xi32, #tpu.memory_space<hbm>>) target(%arg5 : memref<16xi32, #tpu.memory_space<vmem>>) target_semaphore(%run_scoped3A : memref<!tpu.dma_semaphore, #tpu.memory_space<semaphore_mem>>)
        tpu.wait_dma2 semaphore(%run_scoped3A : memref<!tpu.dma_semaphore, #tpu.memory_space<semaphore_mem>>) src(%arg2 : memref<16xi32, #tpu.memory_space<hbm>>) dst(%arg5 : memref<16xi32, #tpu.memory_space<vmem>>)
        tpu.yield
      }) : () -> ()
      %get3A = arith.constant 0 : index
      %get3A_4 = tpu.vector_load %arg5[%get3A] {strides = array<i32>} : memref<16xi32, #tpu.memory_space<vmem>>, vector<16xi32>,
      "tpu.region"() ({
        %run_scoped3A = tpu.sem_alloc : memref<!tpu.dma_semaphore, #tpu.memory_space<semaphore_mem>>
        tpu.enqueue_dma source(%arg3 : memref<100000xi32, #tpu.memory_space<hbm>>) target(%arg6 : memref<100000xi32, #tpu.memory_space<vmem>>) target_semaphore(%run_scoped3A : memref<!tpu.dma_semaphore, #tpu.memory_space<semaphore_mem>>)
        tpu.wait_dma2 semaphore(%run_scoped3A : memref<!tpu.dma_semaphore, #tpu.memory_space<semaphore_mem>>) src(%arg3 : memref<100000xi32, #tpu.memory_space<hbm>>) dst(%arg6 : memref<100000xi32, #tpu.memory_space<vmem>>)
        tpu.yield
      }) : () -> ()
      %iota3A = tpu.iota {dimensions = array<i32: 0>} : vector<16xi32>
      %broadcast_in_dim3A = arith.constant 1 : i32
      %broadcast_in_dim3A_5 = vector.broadcast %broadcast_in_dim3A : i32 to vector<16xi32>
      %eq3A_6 = arith.constant 0 : i32
      %eq3A_7 = vector.broadcast %eq3A_6 : i32 to vector<16xi32>
      %eq3A_8 = arith.cmpi eq, %iota3A, %eq3A_7 : vector<16xi32>
      tpu.vector_store_idx %arg6[%get3A_4], %broadcast_in_dim3A_5 masked %eq3A_8 {add = true} : memref<100000xi32, #tpu.memory_space<vmem>>[vector<16xi32>], vector<16xi32>, vector<16xi1>
      "tpu.region"() ({
        %run_scoped3A = tpu.sem_alloc : memref<!tpu.dma_semaphore, #tpu.memory_space<semaphore_mem>>
        tpu.enqueue_dma source(%arg6 : memref<100000xi32, #tpu.memory_space<vmem>>) target(%arg4 : memref<100000xi32, #tpu.memory_space<hbm>>) target_semaphore(%run_scoped3A : memref<!tpu.dma_semaphore, #tpu.memory_space<semaphore_mem>>)
        tpu.wait_dma2 semaphore(%run_scoped3A : memref<!tpu.dma_semaphore, #tpu.memory_space<semaphore_mem>>) src(%arg6 : memref<100000xi32, #tpu.memory_space<vmem>>) dst(%arg4 : memref<100000xi32, #tpu.memory_space<hbm>>)
        tpu.yield
      }) : () -> ()
    } else {
    }
    return
  }
}

module attributes {stable_mosaic.version = 14 : i64} {
  func.func @_tc_body(%arg0: i32, %arg1: memref<4xi32, #tpu.memory_space<smem>>, %arg2: memref<200x128xf32, #tpu.memory_space<vmem>>, %arg3: memref<100000xi32, #tpu.memory_space<any>>, %arg4: memref<1xf32, #tpu.memory_space<smem>>, %arg5: memref<1x64x2048xf32, #tpu.memory_space<vmem>>, %arg6: memref<8x64x2048xf32, #tpu.memory_space<vmem>>, %arg7: memref<200x128xf32, #tpu.memory_space<vmem>>, %arg8: memref<8x64x2048xf32, #tpu.memory_space<vmem>>, %arg9: memref<128xi32, #tpu.memory_space<smem>>, %arg10: memref<!tpu.dma_semaphore, #tpu.memory_space<semaphore_mem>>) attributes {dimension_semantics = [#tpu.dimension_semantics<arbitrary>], iteration_bounds = array<i64: 16>, scalar_prefetch = 1 : i64, scratch_operands = 2 : i64, tpu.core_type = #tpu.core_type<tc>, window_params = [{transform_indices = @transform_0, window_bounds = array<i64: 200, 128>}, {}, {transform_indices = @transform_2, window_bounds = array<i64: 1>}, {transform_indices = @transform_3, window_bounds = array<i64: 1, 64, 2048>}, {transform_indices = @transform_4, window_bounds = array<i64: 8, 64, 2048>}, {transform_indices = @transform_5, window_bounds = array<i64: 200, 128>}, {transform_indices = @transform_6, window_bounds = array<i64: 8, 64, 2048>}]} {
    %get3A = arith.constant 0 : index
    %get3A_0 = memref.load %arg1[%get3A] : memref<4xi32, #tpu.memory_space<smem>>
    %get3A_1 = arith.constant 1 : index
    %get3A_2 = memref.load %arg1[%get3A_1] : memref<4xi32, #tpu.memory_space<smem>>
    %get3A_3 = arith.constant 3 : index
    %get3A_4 = memref.load %arg1[%get3A_3] : memref<4xi32, #tpu.memory_space<smem>>
    %multiple_of3A = tpu.assume_multiple %get3A_4, 128 : i32
    %sub3A = arith.subi %get3A_0, %multiple_of3A : i32
    %eq3A = arith.constant 0 : i32
    %eq3A_5 = arith.cmpi eq, %arg0, %eq3A : i32
    %convert_element_type3A = arith.extui %eq3A_5 : i1 to i32
    %cond3A = arith.constant 0 : i32
    %cond3A_6 = arith.cmpi ne, %convert_element_type3A, %cond3A : i32
    scf.if %cond3A_6 {
      %dma_start3A = tpu.memref_slice %arg3[%multiple_of3A] : memref<100000xi32, #tpu.memory_space<any>> -> memref<128xi32, #tpu.memory_space<any>>
      tpu.enqueue_dma source(%dma_start3A : memref<128xi32, #tpu.memory_space<any>>) target(%arg9 : memref<128xi32, #tpu.memory_space<smem>>) target_semaphore(%arg10 : memref<!tpu.dma_semaphore, #tpu.memory_space<semaphore_mem>>)
    } else {
    }
    %eq3A_7 = arith.constant 15 : i32
    %eq3A_8 = arith.cmpi eq, %arg0, %eq3A_7 : i32
    %convert_element_type3A_9 = arith.extui %eq3A_8 : i1 to i32
    %cond3A_10 = arith.constant 0 : i32
    %cond3A_11 = arith.cmpi ne, %convert_element_type3A_9, %cond3A_10 : i32
    scf.if %cond3A_11 {
      %dma_wait3A = tpu.memref_slice %arg3[%multiple_of3A] : memref<100000xi32, #tpu.memory_space<any>> -> memref<128xi32, #tpu.memory_space<any>>
      tpu.wait_dma2 semaphore(%arg10 : memref<!tpu.dma_semaphore, #tpu.memory_space<semaphore_mem>>) src(%dma_wait3A : memref<128xi32, #tpu.memory_space<any>>) dst(%arg9 : memref<128xi32, #tpu.memory_space<smem>>)
      %get3A_61 = arith.index_cast %sub3A : i32 to index
      %get3A_62 = memref.load %arg9[%get3A_61] : memref<128xi32, #tpu.memory_space<smem>>
      %get3A_63 = arith.constant 0 : index
      %get3A_64 = arith.constant 0 : index
      %get3A_65 = vector.load %arg2[%get3A_63, %get3A_64] : memref<200x128xf32, #tpu.memory_space<vmem>>, vector<200x128xf32>
      %iota3A = tpu.iota {dimensions = array<i32: 0>} : vector<200x128xi32>
      %iota3A_66 = tpu.iota {dimensions = array<i32: 1>} : vector<200x128xi32>
      %eq3A_67 = vector.broadcast %get3A_62 : i32 to vector<200x128xi32>
      %eq3A_68 = arith.cmpi eq, %iota3A, %eq3A_67 : vector<200x128xi32>
      %eq3A_69 = vector.broadcast %sub3A : i32 to vector<200x128xi32>
      %eq3A_70 = arith.cmpi eq, %iota3A_66, %eq3A_69 : vector<200x128xi32>
      %and3A_71 = arith.andi %eq3A_68, %eq3A_70 : vector<200x128xi1>
      %get3A_72 = arith.constant 0 : index
      %get3A_73 = memref.load %arg4[%get3A_72] : memref<1xf32, #tpu.memory_space<smem>>
      %broadcast_in_dim3A = vector.broadcast %get3A_73 : f32 to vector<200x128xf32>
      %select_n3A_74 = arith.select %and3A_71, %broadcast_in_dim3A, %get3A_65 : vector<200x128xi1>, vector<200x128xf32>
      %swap3A = arith.constant 0 : index
      %swap3A_75 = arith.constant 0 : index
      %swap3A_76 = vector.load %arg7[%swap3A, %swap3A_75] : memref<200x128xf32, #tpu.memory_space<vmem>>, vector<200x128xf32>
      tpu.vector_store %arg7[%swap3A, %swap3A_75], %select_n3A_74 {strides = array<i32>} : memref<200x128xf32, #tpu.memory_space<vmem>>, vector<200x128xf32>,
    } else {
    }
    %jit3A = arith.constant 8 : i32
    %div3A = arith.divsi %get3A_2, %jit3A : i32
    %sign3A = arith.constant 0 : i32
    %sign3A_12 = arith.cmpi sgt, %get3A_2, %sign3A : i32
    %sign3A_13 = arith.extui %sign3A_12 : i1 to i32
    %sign3A_14 = arith.constant 0 : i32
    %sign3A_15 = arith.cmpi slt, %get3A_2, %sign3A_14 : i32
    %sign3A_16 = arith.extui %sign3A_15 : i1 to i32
    %sign3A_17 = arith.subi %sign3A_13, %sign3A_16 : i32
    %sign3A_18 = arith.constant 0 : i32
    %sign3A_19 = arith.cmpi sgt, %jit3A, %sign3A_18 : i32
    %sign3A_20 = arith.extui %sign3A_19 : i1 to i32
    %sign3A_21 = arith.constant 0 : i32
    %sign3A_22 = arith.cmpi slt, %jit3A, %sign3A_21 : i32
    %sign3A_23 = arith.extui %sign3A_22 : i1 to i32
    %sign3A_24 = arith.subi %sign3A_20, %sign3A_23 : i32
    %ne3A = arith.cmpi ne, %sign3A_17, %sign3A_24 : i32
    %rem3A = arith.remsi %get3A_2, %jit3A : i32
    %ne3A_25 = arith.constant 0 : i32
    %ne3A_26 = arith.cmpi ne, %rem3A, %ne3A_25 : i32
    %and3A = arith.andi %ne3A, %ne3A_26 : i1
    %sub3A_27 = arith.constant 1 : i32
    %sub3A_28 = arith.subi %div3A, %sub3A_27 : i32
    %select_n3A = arith.select %and3A, %sub3A_28, %div3A : i32
    %ne3A_29 = arith.cmpi ne, %arg0, %select_n3A : i32
    %convert_element_type3A_30 = arith.extui %ne3A_29 : i1 to i32
    %cond3A_31 = arith.constant 0 : i32
    %cond3A_32 = arith.cmpi ne, %convert_element_type3A_30, %cond3A_31 : i32
    scf.if %cond3A_32 {
      %get3A_61 = arith.constant 0 : index
      %get3A_62 = arith.constant 0 : index
      %get3A_63 = arith.constant 0 : index
      %get3A_64 = vector.load %arg6[%get3A_61, %get3A_62, %get3A_63] : memref<8x64x2048xf32, #tpu.memory_space<vmem>>, vector<8x64x2048xf32>
      %swap3A = arith.constant 0 : index
      %swap3A_65 = arith.constant 0 : index
      %swap3A_66 = arith.constant 0 : index
      %swap3A_67 = vector.load %arg8[%swap3A, %swap3A_65, %swap3A_66] : memref<8x64x2048xf32, #tpu.memory_space<vmem>>, vector<8x64x2048xf32>
      tpu.vector_store %arg8[%swap3A, %swap3A_65, %swap3A_66], %get3A_64 {strides = array<i32>} : memref<8x64x2048xf32, #tpu.memory_space<vmem>>, vector<8x64x2048xf32>,
    } else {
    }
    %jit3A_33 = arith.constant 8 : i32
    %div3A_34 = arith.divsi %get3A_2, %jit3A_33 : i32
    %sign3A_35 = arith.constant 0 : i32
    %sign3A_36 = arith.cmpi sgt, %get3A_2, %sign3A_35 : i32
    %sign3A_37 = arith.extui %sign3A_36 : i1 to i32
    %sign3A_38 = arith.constant 0 : i32
    %sign3A_39 = arith.cmpi slt, %get3A_2, %sign3A_38 : i32
    %sign3A_40 = arith.extui %sign3A_39 : i1 to i32
    %sign3A_41 = arith.subi %sign3A_37, %sign3A_40 : i32
    %sign3A_42 = arith.constant 0 : i32
    %sign3A_43 = arith.cmpi sgt, %jit3A_33, %sign3A_42 : i32
    %sign3A_44 = arith.extui %sign3A_43 : i1 to i32
    %sign3A_45 = arith.constant 0 : i32
    %sign3A_46 = arith.cmpi slt, %jit3A_33, %sign3A_45 : i32
    %sign3A_47 = arith.extui %sign3A_46 : i1 to i32
    %sign3A_48 = arith.subi %sign3A_44, %sign3A_47 : i32
    %ne3A_49 = arith.cmpi ne, %sign3A_41, %sign3A_48 : i32
    %rem3A_50 = arith.remsi %get3A_2, %jit3A_33 : i32
    %ne3A_51 = arith.constant 0 : i32
    %ne3A_52 = arith.cmpi ne, %rem3A_50, %ne3A_51 : i32
    %and3A_53 = arith.andi %ne3A_49, %ne3A_52 : i1
    %sub3A_54 = arith.constant 1 : i32
    %sub3A_55 = arith.subi %div3A_34, %sub3A_54 : i32
    %select_n3A_56 = arith.select %and3A_53, %sub3A_55, %div3A_34 : i32
    %eq3A_57 = arith.cmpi eq, %arg0, %select_n3A_56 : i32
    %convert_element_type3A_58 = arith.extui %eq3A_57 : i1 to i32
    %cond3A_59 = arith.constant 0 : i32
    %cond3A_60 = arith.cmpi ne, %convert_element_type3A_58, %cond3A_59 : i32
    scf.if %cond3A_60 {
      %iota3A = tpu.iota {dimensions = array<i32: 0>} : vector<8x64x2048xi32>
      %mul3A = arith.constant 8 : i32
      %mul3A_61 = arith.muli %arg0, %mul3A : i32
      %add3A = vector.broadcast %mul3A_61 : i32 to vector<8x64x2048xi32>
      %add3A_62 = arith.addi %iota3A, %add3A : vector<8x64x2048xi32>
      %eq3A_63 = vector.broadcast %get3A_2 : i32 to vector<8x64x2048xi32>
      %eq3A_64 = arith.cmpi eq, %add3A_62, %eq3A_63 : vector<8x64x2048xi32>
      %get3A_65 = arith.constant 0 : index
      %get3A_66 = arith.constant 0 : index
      %get3A_67 = arith.constant 0 : index
      %get3A_68 = vector.load %arg5[%get3A_65, %get3A_66, %get3A_67] : memref<1x64x2048xf32, #tpu.memory_space<vmem>>, vector<1x64x2048xf32>
      %get3A_69 = arith.constant 0 : index
      %get3A_70 = arith.constant 0 : index
      %get3A_71 = arith.constant 0 : index
      %get3A_72 = vector.load %arg6[%get3A_69, %get3A_70, %get3A_71] : memref<8x64x2048xf32, #tpu.memory_space<vmem>>, vector<8x64x2048xf32>
      %broadcast_in_dim3A = vector.shape_cast %get3A_68 : vector<1x64x2048xf32> to vector<1x64x2048xf32>
      %broadcast_in_dim3A_73 = vector.broadcast %broadcast_in_dim3A : vector<1x64x2048xf32> to vector<8x64x2048xf32>
      %select_n3A_74 = arith.select %eq3A_64, %broadcast_in_dim3A_73, %get3A_72 : vector<8x64x2048xi1>, vector<8x64x2048xf32>
      %swap3A = arith.constant 0 : index
      %swap3A_75 = arith.constant 0 : index
      %swap3A_76 = arith.constant 0 : index
      %swap3A_77 = vector.load %arg8[%swap3A, %swap3A_75, %swap3A_76] : memref<8x64x2048xf32, #tpu.memory_space<vmem>>, vector<8x64x2048xf32>
      tpu.vector_store %arg8[%swap3A, %swap3A_75, %swap3A_76], %select_n3A_74 {strides = array<i32>} : memref<8x64x2048xf32, #tpu.memory_space<vmem>>, vector<8x64x2048xf32>,
    } else {
    }
    return
  }
  func.func @transform_0(%arg0: i32, %arg1: memref<4xi32, #tpu.memory_space<smem>>) -> (i32, i32) {
    %get3A = arith.constant 2 : index
    %get3A_0 = memref.load %arg1[%get3A] : memref<4xi32, #tpu.memory_space<smem>>
    %c0_i32 = arith.constant 0 : i32
    %c0_i32_1 = arith.constant 0 : i32
    return %c0_i32, %get3A_0 : i32, i32
  }
  func.func @transform_2(%arg0: i32, %arg1: memref<4xi32, #tpu.memory_space<smem>>) -> i32 {
    %c0_i32 = arith.constant 0 : i32
    %c0_i32_0 = arith.constant 0 : i32
    return %c0_i32 : i32
  }
  func.func @transform_3(%arg0: i32, %arg1: memref<4xi32, #tpu.memory_space<smem>>) -> (i32, i32, i32) {
    %get3A = arith.constant 1 : index
    %get3A_0 = memref.load %arg1[%get3A] : memref<4xi32, #tpu.memory_space<smem>>
    %c0_i32 = arith.constant 0 : i32
    %c0_i32_1 = arith.constant 0 : i32
    %c0_i32_2 = arith.constant 0 : i32
    return %get3A_0, %c0_i32, %c0_i32_1 : i32, i32, i32
  }
  func.func @transform_4(%arg0: i32, %arg1: memref<4xi32, #tpu.memory_space<smem>>) -> (i32, i32, i32) {
    %c0_i32 = arith.constant 0 : i32
    %c0_i32_0 = arith.constant 0 : i32
    %c0_i32_1 = arith.constant 0 : i32
    return %arg0, %c0_i32, %c0_i32_0 : i32, i32, i32
  }
  func.func @transform_5(%arg0: i32, %arg1: memref<4xi32, #tpu.memory_space<smem>>) -> (i32, i32) {
    %get3A = arith.constant 2 : index
    %get3A_0 = memref.load %arg1[%get3A] : memref<4xi32, #tpu.memory_space<smem>>
    %c0_i32 = arith.constant 0 : i32
    %c0_i32_1 = arith.constant 0 : i32
    return %c0_i32, %get3A_0 : i32, i32
  }
  func.func @transform_6(%arg0: i32, %arg1: memref<4xi32, #tpu.memory_space<smem>>) -> (i32, i32, i32) {
    %c0_i32 = arith.constant 0 : i32
    %c0_i32_0 = arith.constant 0 : i32
    %c0_i32_1 = arith.constant 0 : i32
    return %arg0, %c0_i32, %c0_i32_0 : i32, i32, i32
  }
}

</mosaic_0001>

<sc_bundles>
// kernel: kernel.4.cloned.1.call-start
scs
__scs_entry_jumppad:
0x0: {  	(pc) =	sbr.rel $0x88, $3  }
0x1: {  	(tag) =	ssettag $0x0;
	lr =	simm.s32 $0x1  }
0x2: {  	[smem:$0x3F9A] =	sst lr;
	_ =	strace $0xD0000000  }
0x3: {  	_ = 	snop  }
0x4: {  	_ = 	snop  }
0x5: {  	_ = 	snop  }
0x6: {  	_ = 	snop  }
0x7: {  	_ = 	snop  }
__scs_overlays_trampoline_lowered:
0x8: {  	[smem:$0x3FA9] =	sst s0  }
0x9: {  	[smem:$0x3FAA] =	sst s1  }
0xa: {  	[smem:$0x3FAB] =	sst s2  }
0xb: {  	[smem:$0x3FAC] =	sst s3  }
0xc: {  	[smem:$0x3FAD] =	sst s4  }
0xd: {  	[smem:$0x3FAE] =	sst s5  }
0xe: {  	[smem:$0x3FAF] =	sst s6  }
0xf: {  	[smem:$0x3FB0] =	sst s7  }
0x10: {  	[smem:$0x3FB1] =	sst s8  }
0x11: {  	[smem:$0x3FB2] =	sst s9;
	s0 =	simm.s32 @!p0 $0x0  }
0x12: {  	s1 =	sld [smem:$0x3F98];
	s0 =	simm.s32 @p0 $0x1  }
0x13: {  	[smem:$0x3FB3] =	sst s0;
	s0 =	simm.s32 @!p1 $0x0  }
0x14: {  	s2 =	sld [smem:$0x3F97];
	s0 =	simm.s32 @p1 $0x1  }
0x15: {  	[smem:$0x3FB4] =	sst s0;
	s0 =	simm.s32 @!p2 $0x0  }
0x16: {  	s3 =	sld [smem:$0x3FDB];
	s0 =	simm.s32 @p2 $0x1  }
0x17: {  	s4 =	simm.s32 $0x1BF5;
	[smem:$0x3FB6] =	sst s0  }
0x18: {  	s0 =	sld [smem:$0x3F99];
	_ =	swait.ge [sflag:s4], $0x0  }
0x19: {  	s7 =	sld [smem:$0x3F9A]  }
0x1a: {  	s8 =	sadd.s32 $0xFFFFE003, lr  }
0x1b: {  	s9 =	sadd.s32 $0xFFFFFEF7, lr;
	s5 =	simm.s32 $0xFFFFFFFF;
	p2 =	slt.u32 s8, $0xFFFFF086  }
0x1c: {  	p1 =	slt.u32 s9, $0xF7A;
	s5 =	simm.s32 @!p2 $0x0  }
0x1d: {  	s5 =	simm.s32 @p1 $0x1;
	p0 =	seq.s32 s7, s2  }
0x1e: {  	s7 =	smul.u32 @!p0 $0xF7A, s2;
	p2 =	seq.s32 @!p0 s5, $0x0  }
0x1f: {  	s9 =	smul.u32 $0xF7A, s1;
	s8 =	simm.s32 @!p0 $0x1BF5;
	p2 =	por !p2, p0  }
0x20: {  	[sflag:s8] =	ssyncset.s32 @!p0 $0xFFFFF086;
	s6 =	sadd.s32 @!p0 s3, s7;
	s7 =	simm.s32 @!p0 $0x108  }
0x21: {  	s3 =	sadd.s32 s3, s9;
	s6 =	sadd.s32 @!p0 $0x88, s6;
	s7 =	simm.s32 @p2 $0x1082  }
0x22: {  	[simem:s7], [sflag:s8] =	dma.local @!p0 [hbm:s6], $0xF7A  }
0x23: {  	s9 =	sor.u32 $0xD0000000, s2;
	s6 =	simm.s32 $0x108;
	_ =	swait.ge @!p0 [sflag:s8], $0x0  }
0x24: {  	s3 =	sadd.s32 $0x88, s3;
	s6 =	simm.s32 @!p1 $0x1082;
	[sflag:s4] =	ssyncset.s32 $0xFFFFF086  }
0x25: {  	[simem:s6], [sflag:s4] =	dma.local [hbm:s3], $0xF7A  }
0x26: {  	[smem:$0x3F9A] =	sst s1;
	(tag) =	ssettag s2;
	_ =	strace s9  }
0x27: {  	s1 =	sld [smem:$0x3FAA]  }
0x28: {  	s2 =	sld [smem:$0x3FAB]  }
0x29: {  	s4 =	sld [smem:$0x3FAD]  }
0x2a: {  	p0 =	seq.s32 s5, $0x0;
	s5 =	sld [smem:$0x3FAE]  }
0x2b: {  	s6 =	sld [smem:$0x3FAF]  }
0x2c: {  	s7 =	sld [smem:$0x3FB0]  }
0x2d: {  	s3 =	simm.s32 $0x108;
	s8 =	sld [smem:$0x3FB1]  }
0x2e: {  	s3 =	simm.s32 @!p0 $0x1082;
	s9 =	sld [smem:$0x3FB2]  }
0x2f: {  	lr =	sadd.s32 s0, s3;
	s0 =	sld [smem:$0x3FA9]  }
0x30: {  	s3 =	sld [smem:$0x3FAC]  }
0x31: {  	[smem:$0x3FB5] =	sst s10  }
0x32: {  	s10 =	sld [smem:$0x3FB3];
	_ =	sdelay $0x3  }
0x33: {  	p0 =	seq.s32 s10, $0x1;
	s10 =	sld [smem:$0x3FB5];
	_ =	sdelay $0x3  }
0x34: {  	[smem:$0x3FB5] =	sst s10  }
0x35: {  	s10 =	sld [smem:$0x3FB4];
	_ =	sdelay $0x3  }
0x36: {  	p1 =	seq.s32 s10, $0x1;
	s10 =	sld [smem:$0x3FB5];
	_ =	sdelay $0x3  }
0x37: {  	[smem:$0x3FB5] =	sst s10  }
0x38: {  	s10 =	sld [smem:$0x3FB6]  }
0x39: {  	_ = 	snop;
	(pc) =	sbr.ind lr, $3  }
0x3a: {  	_ = 	snop  }
0x3b: {  	_ = 	snop  }
0x3c: {  	p2 =	seq.s32 s10, $0x1;
	s10 =	sld [smem:$0x3FB5]  }
0x3d: {  	_ =	shalt  }
0x3e: {  	_ =	shalt  }
0x3f: {  	_ =	shalt  }
0x40: {  	_ =	shalt  }
0x41: {  	_ =	shalt  }
0x42: {  	_ =	shalt  }
0x43: {  	_ =	shalt  }
0x44: {  	_ =	shalt  }
0x45: {  	_ =	shalt  }
0x46: {  	_ =	shalt  }
0x47: {  	_ =	shalt  }
0x48: {  	_ =	shalt  }
0x49: {  	_ =	shalt  }
0x4a: {  	_ =	shalt  }
0x4b: {  	_ =	shalt  }
0x4c: {  	_ =	shalt  }
0x4d: {  	_ =	shalt  }
0x4e: {  	_ =	shalt  }
0x4f: {  	_ =	shalt  }
0x50: {  	_ =	shalt  }
0x51: {  	_ =	shalt  }
0x52: {  	_ =	shalt  }
0x53: {  	_ =	shalt  }
0x54: {  	_ =	shalt  }
0x55: {  	_ =	shalt  }
0x56: {  	_ =	shalt  }
0x57: {  	_ =	shalt  }
0x58: {  	_ =	shalt  }
0x59: {  	_ =	shalt  }
0x5a: {  	_ =	shalt  }
0x5b: {  	_ =	shalt  }
0x5c: {  	_ =	shalt  }
0x5d: {  	_ =	shalt  }
0x5e: {  	_ =	shalt  }
0x5f: {  	_ =	shalt  }
0x60: {  	_ =	shalt  }
0x61: {  	_ =	shalt  }
0x62: {  	_ =	shalt  }
0x63: {  	_ =	shalt  }
0x64: {  	_ =	shalt  }
0x65: {  	_ =	shalt  }
0x66: {  	_ =	shalt  }
0x67: {  	_ =	shalt  }
0x68: {  	_ =	shalt  }
0x69: {  	_ =	shalt  }
0x6a: {  	_ =	shalt  }
0x6b: {  	_ =	shalt  }
0x6c: {  	_ =	shalt  }
0x6d: {  	_ =	shalt  }
0x6e: {  	_ =	shalt  }
0x6f: {  	_ =	shalt  }
0x70: {  	_ =	shalt  }
0x71: {  	_ =	shalt  }
0x72: {  	_ =	shalt  }
0x73: {  	_ =	shalt  }
0x74: {  	_ =	shalt  }
0x75: {  	_ =	shalt  }
0x76: {  	_ =	shalt  }
0x77: {  	_ =	shalt  }
0x78: {  	_ =	shalt  }
0x79: {  	_ =	shalt  }
0x7a: {  	_ =	shalt  }
0x7b: {  	_ =	shalt  }
0x7c: {  	_ =	shalt  }
0x7d: {  	_ =	shalt  }
0x7e: {  	_ =	shalt  }
0x7f: {  	_ =	shalt  }
0x80: {  	_ =	shalt  }
0x81: {  	_ =	shalt  }
0x82: {  	_ =	shalt  }
0x83: {  	_ =	shalt  }
0x84: {  	_ =	shalt  }
0x85: {  	_ =	shalt  }
0x86: {  	_ =	shalt  }
0x87: {  	_ =	shalt  }
.Lfunc_end0:
.L_simem_size_0:
called_computation_lowered:
.L_overlay_start_0:
0x88: {  	s2 =	sld [smem:$0x3FD9]  }
0x89: {  	s3 =	sld [smem:$0x3FFE];
	_ =	sdelay $0x1  }
0x8a: {  	s1 =	srdreg.scid  }
0x8b: {  	s0 =	sand.u32 $0x1, s1  }
0x8c: {  	s14 =	sshll.u32 s0, $0xA;
	s2 =	sadd.s32 s3, s2  }
0x8d: {  	s2 =	sadd.s32 s2, s14  }
0x8e: {  	[smem:$0x3FC1] =	sst s2  }
0x8f: {  	_ = 	snop  }
0x90: {  	s2 =	sld [smem:$0x3FD0];
	_ =	sdelay $0x2  }
0x91: {  	s4 =	simm.s32 $0xA;
	s5 =	simm.s32 $0x10;
	s15 =	sld [smem:$0x3FC8]  }
0x92: {  	[smem:s5], [sflag:s4] =	dma.local [hbm:s2], $0x1  }
0x93: {  	_ =	swait.eq [sflag:s4], $0x1  }
0x94: {  	[sflag:s4] =	ssyncset.done $0x0  }
0x95: {  	[sflag:s4] =	ssyncadd.s32 $0xFFFFFFFF  }
0x96: {  	s16 =	sld [smem:$0x11];
	(tm) =	ssettm $0x1  }
0x97: {  	s17 =	sld [smem:$0x3FFB];
	_ =	sdelay $0x3  }
0x98: {  	_ =	strace s17  }
0x99: {  	s4 =	sld [smem:$0x3FFC];
	_ =	sdelay $0x3  }
0x9a: {  	_ =	strace s4  }
0x9b: {  	s4 =	sld [smem:$0x3FFD];
	_ =	sdelay $0x3  }
0x9c: {  	_ =	strace s4  }
0x9d: {  	_ =	strace $0x8FFFFFFF  }
0x9e: {  	s18 =	sld [smem:$0x3FDB];
	_ =	sdelay $0x1  }
0x9f: {  	s19 =	simm.s32 $_scs_section_size  }
0xa0: {  	s6 =	simm.s32 $_size__tile_overlayer_lowered;
	s7 =	simm.s32 $_tile_overlayer_lowered  }
0xa1: {  	s22 =	simm.s32 $0x1BFF;
	s21 =	sshll.u32 s7, $0x1;
	s4 =	sadd.s32 s19, s18  }
0xa2: {  	s8 =	simm.s32 $0x0;
	s20 =	sshll.u32 s6, $0x1;
	s6 =	sadd.s32 s21, s4  }
0xa3: {  	[timem:s8], [sflag:s22] =	dma.local [hbm:s6], s20  }
0xa4: {  	_ =	swait.ge [sflag:s22], s20  }
0xa5: {  	s5 =	ssub.s32 $0x0, s20;
	[sflag:s22] =	ssyncset.done $0x0  }
0xa6: {  	[sflag:s22] =	ssyncadd.s32 s5;
	_ =	sdelay $0x1  }
0xa7: {  	s23 =	simm.s32 $0x1B8B  }
0xa8: {  	_ =	swait.ge [sflag:s23], $0x1  }
0xa9: {  	[sflag:s23] =	ssyncset.done $0x0  }
0xaa: {  	s25 =	simm.s32 $0x1B8E;
	s24 =	sld [smem:$0x3FFE];
	[sflag:s23] =	ssyncadd.s32 $0xFFFFFFFF  }
0xab: {  	s26 =	simm.s32 $execute0_lowered;
	[smem:$0x3FD2] =	sst s25  }
0xac: {  	s6 =	sshll.u32 s26, $0x1;
	_ =	strace $0x80000046;
	[dreg:$0x1] =	wrdreg $0xFFFFFFFF  }
0xad: {  	s28 =	simm.s32 $_size_execute0_lowered;
	s4 =	sadd.s32 s4, s6;
	[dreg:$0x0] =	wrdreg $0x0  }
0xae: {  	s6 =	sshll.u32 s28, $0x1;
	[dreg:$0x2] =	wrdreg s4  }
0xaf: {  	[dreg:$0x3] =	wrdreg s6  }
0xb0: {  	[dreg:$0x4] =	wrdreg $0xC0  }
0xb1: {  	_ =	task [dreg:s8], $0x5FFFF  }
0xb2: {  	[dreg:$0x1] =	wrdreg $0xFFFFFFFF  }
0xb3: {  	[dreg:$0x0] =	wrdreg $0x60  }
0xb4: {  	[dreg:$0x2] =	wrdreg s24  }
0xb5: {  	[dreg:$0x3] =	wrdreg s15  }
0xb6: {  	[dreg:$0x4] =	wrdreg s16  }
0xb7: {  	[dreg:$0x5] =	wrdreg $0x9  }
0xb8: {  	_ =	task.clear_ibuf [dreg:s8], $0x6FFFF;
	_ =	strace $0x90000046  }
0xb9: {  	s29 =	simm.s32 $0x9;
	_ =	strace $0x80000048  }
0xba: {  	_ =	swait.ge [sflag:s29], $0x1  }
0xbb: {  	[sflag:s29] =	ssyncadd.s32 $0xFFFFFFFF  }
0xbc: {  	_ =	strace $0x90000048  }
0xbd: {  	_ =	sfence  }
0xbe: {  	s30 =	sld [smem:$0x0];
	_ =	sdelay $0x2  }
0xbf: {  	s31 =	sshll.u32 s1, $0xD;
	s1 =	sshrl.u32 s1, $0x2  }
0xc0: {  	s3 =	sand.u32 $0x4000, s31;
	s1 =	sadd.s32 s1, s30  }
0xc1: {  	s0 =	sor.u32 s3, s0;
	s1 =	sshll.u32 s1, $0x11  }
0xc2: {  	s0 =	sor.u32 s1, s0  }
0xc3: {  	s0 =	sadd.s32 $0x8F2B, s0  }
0xc4: {  	[sflag:s0] =	ssyncadd.remote.s32 $0x1  }
0xc5: {  	_ =	sfence.sel $0xFFFF  }
0xc6: {  	[dreg:$0x0] =	wrdreg $0xFFFFFFFF;
	(pc) =	sbr.abs _section_cstart, $3  }
0xc7: {  	[dreg:$0x1] =	wrdreg $0xFFFFFFFF  }
0xc8: {  	_ =	task.clear_ibuf [dreg:s8], $0x2FFFF;
	_ =	strace $0x9FFFFFFF  }
0xc9: {  	(tm) =	ssettm $0x7FFFFFFF  }
tec
execute0_lowered:
.L_overlay_start_1:
0x0: {  	(tag) =	ssettag $0x1  }
0x1: {  	s0 =	srdreg.scid  }
0x2: {  	s8 =	sand.u32 $0x1, s0;
	s0 =	stileid.u32  }
0x3: {  	s5 =	sor.u32 s0, s8  }
0x4: {  	p0 =	sne.s32 s5, $0x0  }
.Ltmp0:
0x5: {  	_ = 	snop;
	(pc) =	sbr.rel @p0 .LBB2_4-.Ltmp0, $4  }
0x6: {  	s4 =	rddreg [dreg:$0x0]  }
0x7: {  	s2 =	rddreg [dreg:$0x1]  }
0x8: {  	s3 =	rddreg [dreg:$0x2]  }
0x9: {  	s1 =	rddreg [dreg:$0x3];
	_ =	strace $0x80000047  }
0xa: {  	s4 =	sadd.s32 $0x600, s4;
	s6 =	simm.s32 $0x0;
	s5 =	simm.s32 $0x1  }
0xb: {  	[tilespmem:s6], [sflag:$0x1] =	stream.linear.gather [hbm4b:s4+s6], $0x80, $0x38;
	[tilespmem:$0x18780] =	vst v63  }
0xc: {  	_ =	swait.ge [sflag:s5], $0x80  }
0xd: {  	[sflag:s5] =	ssyncset.done $0x0  }
0xe: {  	[sflag:s5] =	ssyncadd.s32 $0xFFFFFF80  }
0xf: {  	v1 =	vld [tilespmem:$0x0];
	_ =	sdelay $0x1  }
0x10: {  	s8 =	ssub.s32 $0x2, s8  }
0x11: {  	s7 =	simm.s32 $0x80;
	s9 =	sshrl.u32 s8, $0x1  }
0x12: {  	[tilespmem:s7], [sflag:$0x1] =	stream.linear.gather [hbm4b:s2+s6], $0x18700, $0x38;
	[tilespmem:$0x18780] =	vst v63  }
0x13: {  	s8 =	ssub.s32 s8, s9;
	_ =	swait.ge [sflag:s5], $0x18700  }
0x14: {  	p0 =	sne.s32 s8, $0x1;
	[sflag:s5] =	ssyncset.done $0x0  }
.Ltmp1:
0x15: {  	v0 =	vimm.s32 $0x1;
	[sflag:s5] =	ssyncadd.s32 $0xFFFE7900;
	(pc) =	sbr.rel @!p0 .LBB2_3-.Ltmp1, $4  }
0x16: {  	[tilespmem:v1+s7+$0x0] =	vst.idx.add.s32.msk $0x1, v0  }
0x17: {  	[hbm4b:s3+s6] =	stream.linear.scatter [tilespmem:s7], [sflag:$0x1], $0x18700, $0x38;
	[tilespmem:$0x18780] =	vst v63  }
0x18: {  	_ =	swait.ge [sflag:s5], $0x18700  }
0x19: {  	s8 =	sadd.s32 $0xFFFFFFFF, s8;
	[sflag:s5] =	ssyncset.done $0x0  }
.LBB2_2:
0x1a: {  	p0 =	sne.s32 s8, $0x1;
	s8 =	sadd.s32 $0xFFFFFFFF, s8;
	[sflag:s5] =	ssyncadd.s32 $0xFFFE7900  }
0x1b: {  	[tilespmem:s6], [sflag:$0x1] =	stream.linear.gather [hbm4b:s4+s6], $0x80, $0x38;
	[tilespmem:$0x18780] =	vst v63  }
0x1c: {  	_ =	swait.ge [sflag:s5], $0x80  }
0x1d: {  	[sflag:s5] =	ssyncset.done $0x0  }
0x1e: {  	[sflag:s5] =	ssyncadd.s32 $0xFFFFFF80  }
0x1f: {  	v1 =	vld [tilespmem:$0x0]  }
0x20: {  	[tilespmem:s7], [sflag:$0x1] =	stream.linear.gather [hbm4b:s2+s6], $0x18700, $0x38;
	[tilespmem:$0x18780] =	vst v63  }
0x21: {  	_ =	sdelay $0x2  }
0x22: {  	_ =	swait.ge [sflag:s5], $0x18700  }
0x23: {  	[sflag:s5] =	ssyncset.done $0x0  }
.Ltmp2:
0x24: {  	[sflag:s5] =	ssyncadd.s32 $0xFFFE7900;
	(pc) =	sbr.rel @p0 .LBB2_2-.Ltmp2, $4  }
0x25: {  	[tilespmem:v1+s7+$0x0] =	vst.idx.add.s32.msk $0x1, v0  }
0x26: {  	[hbm4b:s3+s6] =	stream.linear.scatter [tilespmem:s7], [sflag:$0x1], $0x18700, $0x38;
	[tilespmem:$0x18780] =	vst v63  }
0x27: {  	_ =	swait.ge [sflag:s5], $0x18700  }
0x28: {  	[sflag:s5] =	ssyncset.done $0x0  }
.LBB2_3:
0x29: {  	[sflag:s5] =	ssyncadd.s32 $0xFFFE7900  }
.LBB2_4:
0x2a: {  	_ =	sfence.sel $0x180000  }
0x2b: {  	[bflag:$0x0] =	sbarrier.arrive $0xFFFF  }
0x2c: {  	p0 =	sne.s32 s0, $0x0;
	_ =	strace $0x90000047  }
0x2d: {  	s0 =	sadd.s32 @!p0 $0x100000, s1;
	[bflag:$0x2] =	sbarrier.arrive $0xFFFF  }
0x2e: {  	[sflag:s0] =	ssyncadd.tile.s32 @!p0 $0x1;
	_ =	shalt  }
.Lfunc_end2:
_tile_overlayer_lowered:
.L_overlay_start_2:
0x2f: {  	(tag) =	ssettag $0x2  }
0x30: {  	s0 =	rddreg [dreg:$0x0];
	s2 =	stileid.u32  }
0x31: {  	s1 =	rddreg [dreg:$0x1];
	p0 =	sne.s32 s2, $0x0  }
0x32: {  	s3 =	rddreg [dreg:$0x2];
	[bflag:$0x3] =	sbarrier.arrive $0xFFFF;
	s2 =	simm.s32 @!p0 $0x1C01  }
0x33: {  	[timem:s3], [sflag:s2] =	dma.local @!p0 [hbm:s0], s1  }
0x34: {  	s0 =	simm.s32 @!p0 $0x1  }
0x35: {  	_ =	swait.ge @!p0 [sflag:s0], s1  }
0x36: {  	s1 =	ssub.s32 @!p0 $0x0, s1;
	[sflag:s0] =	ssyncset.done @!p0 $0x0  }
0x37: {  	[sflag:s0] =	ssyncadd.s32 @!p0 s1  }
0x38: {  	[bflag:$0x3] =	sbarrier.arrive $0xFFFF  }
0x39: {  	_ =	shalt  }

</sc_bundles>
